<compile_context>
chip_gen: v7x
topology: tpu7x:2x2x1
jax: 0.10.2.dev20260603
libtpu: 0.0.44.dev20260713+nightly
codegen_flags: <defaults>
</compile_context>

<pallas_src>
import functools

import jax
import jax.numpy as jnp
from jax import lax
from jax.experimental import pallas as pl
from jax.experimental.pallas import tpu as pltpu
from jax.experimental.pallas import tpu_sc as plsc

_G = 2
_V = 320
_D = 128
_N = 1024
_GV = _G * _V
_NC, _NS = 1, 16
_NW = _NC * _NS
_TPW = _N // _NW
_BLK = 512


def _proj_argmax_body(h_ref, w_ref, b_ref, idx0_ref, idx1_ref):
    i = pl.program_id(0)
    hs = h_ref[...].reshape(_BLK, h_ref.shape[-1])
    logits = jnp.dot(hs, w_ref[...],
                     preferred_element_type=jnp.float32) + b_ref[...]
    iota = lax.broadcasted_iota(jnp.int32, (_BLK, _V), 1)
    for g, out_ref in ((0, idx0_ref), (1, idx1_ref)):
        lg = logits[:, g * _V:(g + 1) * _V]
        m = jnp.max(lg, axis=1, keepdims=True)
        out_ref[pl.ds(i * _BLK, _BLK)] = (
            jnp.min(jnp.where(lg == m, iota, _V), axis=1) + g * _V)


def _ppl_body(idx0_ref, idx1_ref, ppl_ref):
    iota = lax.broadcasted_iota(jnp.int32, (_N, _V), 1)
    ppl = jnp.float32(0.0)
    for g, idx_ref in ((0, idx0_ref), (1, idx1_ref)):
        onehot = (iota == (idx_ref[...] - g * _V)[:, None]).astype(jnp.float32)
        p = jnp.sum(onehot, axis=0) * (1.0 / _N)
        ppl = ppl + jnp.exp(-jnp.sum(p * jnp.log(p + 1e-7)))
    ppl_ref[...] = jnp.broadcast_to(ppl, (1, 1))


@functools.cache
def _make_sc_gather():
    @functools.partial(
        pl.kernel,
        mesh=plsc.VectorSubcoreMesh(core_axis_name="c", subcore_axis_name="s",
                                    num_cores=_NC),
        out_type=jax.ShapeDtypeStruct((_N, _G * _D), jnp.float32),
        scratch_types=[
            pltpu.VMEM((_G * _TPW,), jnp.int32),
            pltpu.VMEM((_G * _TPW, _D), jnp.float32),
            pltpu.SemaphoreType.DMA,
            pltpu.SemaphoreType.DMA,
            pltpu.SemaphoreType.DMA,
        ],
    )
    def _sc_gather(table_hbm, idx0_hbm, idx1_hbm, out_hbm,
                   idx_v, rows_v, sem0, sem1, semg):
        wid = lax.axis_index("s") * _NC + lax.axis_index("c")
        base = wid * _TPW
        c0 = pltpu.async_copy(idx0_hbm.at[pl.ds(base, _TPW)],
                              idx_v.at[pl.ds(0, _TPW)], sem0)
        c1 = pltpu.async_copy(idx1_hbm.at[pl.ds(base, _TPW)],
                              idx_v.at[pl.ds(_TPW, _TPW)], sem1)
        c0.wait()
        g0 = pltpu.async_copy(table_hbm.at[idx_v.at[pl.ds(0, _TPW)]],
                              rows_v.at[pl.ds(0, _TPW)], semg)
        c1.wait()
        g1 = pltpu.async_copy(table_hbm.at[idx_v.at[pl.ds(_TPW, _TPW)]],
                              rows_v.at[pl.ds(_TPW, _TPW)], sem1)
        g0.wait()
        w0 = pltpu.async_copy(rows_v.at[pl.ds(0, _TPW)],
                              out_hbm.at[pl.ds(base, _TPW), pl.ds(0, _D)], sem0)
        g1.wait()
        w1 = pltpu.async_copy(rows_v.at[pl.ds(_TPW, _TPW)],
                              out_hbm.at[pl.ds(base, _TPW), pl.ds(_D, _D)], sem1)
        w0.wait()
        w1.wait()

    return _sc_gather


def kernel(hidden_states, codevectors, W_proj, b_proj):
    b, s, h = hidden_states.shape
    nblk = _N // _BLK
    idx0, idx1 = pl.pallas_call(
        _proj_argmax_body,
        grid=(nblk,),
        in_specs=[
            pl.BlockSpec((_BLK // 256, 256, h), lambda i: (i, 0, 0)),
            pl.BlockSpec((h, _GV), lambda i: (0, 0)),
            pl.BlockSpec((_GV,), lambda i: (0,)),
        ],
        out_specs=(
            pl.BlockSpec((_N,), lambda i: (0,)),
            pl.BlockSpec((_N,), lambda i: (0,)),
        ),
        out_shape=(
            jax.ShapeDtypeStruct((_N,), jnp.int32),
            jax.ShapeDtypeStruct((_N,), jnp.int32),
        ),
    )(hidden_states, W_proj, b_proj)
    table = codevectors.reshape(_GV, _D)
    out = _make_sc_gather()(table, idx0, idx1)
    ppl = pl.pallas_call(
        _ppl_body,
        out_shape=jax.ShapeDtypeStruct((1, 1), jnp.float32),
    )(idx0, idx1)
    return (out.reshape(b, s, _G * _D), ppl[0, 0])

# --- scband reference (transcript-rebuilt; emitter-appended) ---
"""Pipeline reference for scband-wav2-vec2-gumbel-vector-quantizer-15779709845564 (READ-ONLY COPY).

The authoritative reference and input builder live on the scoring server;
editing this copy changes nothing except your own understanding.
"""

import jax, jax.numpy as jnp
import numpy as np

G = 2
V = 320
CDIM = 256
HID = 512
B = 4
S = 256

def setup_inputs(seed: int = 0) -> dict:
    key = jax.random.key(seed)
    k1, k2, k3 = jax.random.split(key, 3)
    hidden_states = jax.random.normal(k1, (B, S, HID), dtype=jnp.float32)
    # learned parameters sized per module __init__
    codevectors = jax.random.normal(k2, (1, G * V, CDIM // G), dtype=jnp.float32) * 0.02
    W_proj = jax.random.normal(k3, (HID, G * V), dtype=jnp.float32) * (1.0 / np.sqrt(HID))
    b_proj = jnp.zeros((G * V,), dtype=jnp.float32)
    return {"hidden_states": hidden_states, "codevectors": codevectors, "W_proj": W_proj, "b_proj": b_proj}

def reference(hidden_states, codevectors, W_proj, b_proj):
    # eval-mode path (deterministic argmax quantization), mask_time_indices=None
    batch_size, sequence_length, hidden_size = hidden_states.shape
    hs = hidden_states @ W_proj + b_proj  # weight_proj: Linear(512 -> G*V)
    hs = hs.reshape(batch_size * sequence_length * G, V)
    # argmax -> hard one-hot (torch: new_zeros().scatter_(-1, idx, 1.0))
    codevector_idx = jnp.argmax(hs, axis=-1)
    codevector_probs = jax.nn.one_hot(codevector_idx, V, dtype=hs.dtype)
    probs_g = codevector_probs.reshape(batch_size * sequence_length, G, V)
    # perplexity (no mask)
    mean_probs = probs_g.mean(axis=0)
    perplexity = jnp.exp(-jnp.sum(mean_probs * jnp.log(mean_probs + 1e-7), axis=-1)).sum()
    # weighted codevector sum
    cp = codevector_probs.reshape(batch_size * sequence_length, -1)  # [BS, G*V]
    codevectors_per_group = cp[:, :, None] * codevectors  # [BS, G*V, CDIM//G]
    out = codevectors_per_group.reshape(batch_size * sequence_length, G, V, -1).sum(-2)
    out = out.reshape(batch_size, sequence_length, -1)
    return (out, perplexity)

if __name__ == "__main__":
    import jax
    _d = setup_inputs()
    print(jax.jit(kernel)(*tuple(_d.values())))

</pallas_src>

<mosaic_0001>
#map = affine_map<(d0, d1) -> (0, 0)>
#map1 = affine_map<(d0, d1) -> (0)>
module attributes {stable_mosaic.version = 14 : i64} {
  func.func @_sc_gather(%arg0: i32, %arg1: i32, %arg2: memref<640x128xf32, #tpu.memory_space<hbm>>, %arg3: memref<1024xi32, #tpu.memory_space<hbm>>, %arg4: memref<1024xi32, #tpu.memory_space<hbm>>, %arg5: memref<1024x256xf32, #tpu.memory_space<hbm>>, %arg6: memref<128xi32, #tpu.memory_space<vmem>>, %arg7: memref<128x128xf32, #tpu.memory_space<vmem>>, %arg8: memref<!tpu.dma_semaphore, #tpu.memory_space<semaphore_mem>>, %arg9: memref<!tpu.dma_semaphore, #tpu.memory_space<semaphore_mem>>, %arg10: memref<!tpu.dma_semaphore, #tpu.memory_space<semaphore_mem>>) attributes {dimension_semantics = [#tpu.dimension_semantics<core_parallel>, #tpu.dimension_semantics<subcore_parallel>], iteration_bounds = array<i64: 1, 16>, scalar_prefetch = 0 : i64, scratch_operands = 5 : i64, tpu.core_type = #tpu.core_type<sc_vector_subcore>, window_params = [{transform_indices = #map}, {transform_indices = #map1}, {transform_indices = #map1}, {transform_indices = #map}]} {
    %mul3A = arith.constant 1 : i32
    %mul3A_0 = arith.muli %arg1, %mul3A : i32
    %add3A = arith.addi %mul3A_0, %arg0 : i32
    %mul3A_1 = arith.constant 64 : i32
    %mul3A_2 = arith.muli %add3A, %mul3A_1 : i32
    %dma_start3A = arith.constant 0 : i32
    %dma_start3A_3 = tpu.memref_slice %arg6[%dma_start3A] : memref<128xi32, #tpu.memory_space<vmem>> -> memref<64xi32, #tpu.memory_space<vmem>>
    %dma_start3A_4 = tpu.memref_slice %arg3[%mul3A_2] : memref<1024xi32, #tpu.memory_space<hbm>> -> memref<64xi32, #tpu.memory_space<hbm>>
    %dma_start3A_5 = arith.constant 0 : i32
    %dma_start3A_6 = tpu.memref_slice %arg6[%dma_start3A_5] : memref<128xi32, #tpu.memory_space<vmem>> -> memref<64xi32, #tpu.memory_space<vmem>>
    %dma_start3A_7 = tpu.memref_slice %arg3[%mul3A_2] : memref<1024xi32, #tpu.memory_space<hbm>> -> memref<64xi32, #tpu.memory_space<hbm>>
    tpu.enqueue_dma source(%dma_start3A_7 : memref<64xi32, #tpu.memory_space<hbm>>) target(%dma_start3A_6 : memref<64xi32, #tpu.memory_space<vmem>>) target_semaphore(%arg8 : memref<!tpu.dma_semaphore, #tpu.memory_space<semaphore_mem>>)
    %dma_start3A_8 = arith.constant 64 : i32
    %dma_start3A_9 = tpu.memref_slice %arg6[%dma_start3A_8] : memref<128xi32, #tpu.memory_space<vmem>> -> memref<64xi32, #tpu.memory_space<vmem>>
    %dma_start3A_10 = tpu.memref_slice %arg4[%mul3A_2] : memref<1024xi32, #tpu.memory_space<hbm>> -> memref<64xi32, #tpu.memory_space<hbm>>
    %dma_start3A_11 = arith.constant 64 : i32
    %dma_start3A_12 = tpu.memref_slice %arg6[%dma_start3A_11] : memref<128xi32, #tpu.memory_space<vmem>> -> memref<64xi32, #tpu.memory_space<vmem>>
    %dma_start3A_13 = tpu.memref_slice %arg4[%mul3A_2] : memref<1024xi32, #tpu.memory_space<hbm>> -> memref<64xi32, #tpu.memory_space<hbm>>
    tpu.enqueue_dma source(%dma_start3A_13 : memref<64xi32, #tpu.memory_space<hbm>>) target(%dma_start3A_12 : memref<64xi32, #tpu.memory_space<vmem>>) target_semaphore(%arg9 : memref<!tpu.dma_semaphore, #tpu.memory_space<semaphore_mem>>)
    %dma_wait3A = arith.constant 0 : i32
    %dma_wait3A_14 = tpu.memref_slice %arg6[%dma_wait3A] : memref<128xi32, #tpu.memory_space<vmem>> -> memref<64xi32, #tpu.memory_space<vmem>>
    %dma_wait3A_15 = tpu.memref_slice %arg3[%mul3A_2] : memref<1024xi32, #tpu.memory_space<hbm>> -> memref<64xi32, #tpu.memory_space<hbm>>
    %dma_wait3A_16 = arith.constant 0 : i32
    %dma_wait3A_17 = tpu.memref_slice %arg6[%dma_wait3A_16] : memref<128xi32, #tpu.memory_space<vmem>> -> memref<64xi32, #tpu.memory_space<vmem>>
    %dma_wait3A_18 = tpu.memref_slice %arg3[%mul3A_2] : memref<1024xi32, #tpu.memory_space<hbm>> -> memref<64xi32, #tpu.memory_space<hbm>>
    tpu.wait_dma2 semaphore(%arg8 : memref<!tpu.dma_semaphore, #tpu.memory_space<semaphore_mem>>) src(%dma_wait3A_18 : memref<64xi32, #tpu.memory_space<hbm>>) dst(%dma_wait3A_17 : memref<64xi32, #tpu.memory_space<vmem>>)
    %dma_start3A_19 = arith.constant 0 : i32
    %dma_start3A_20 = arith.constant 0 : i32
    %dma_start3A_21 = tpu.memref_slice %arg7[%dma_start3A_19, %dma_start3A_20] : memref<128x128xf32, #tpu.memory_space<vmem>> -> memref<64x128xf32, #tpu.memory_space<vmem>>
    %dma_start3A_22 = arith.constant 0 : i32
    %dma_start3A_23 = tpu.memref_slice %arg6[%dma_start3A_22] : memref<128xi32, #tpu.memory_space<vmem>> -> memref<64xi32, #tpu.memory_space<vmem>>
    %dma_start3A_24 = arith.constant 0 : i32
    %dma_start3A_25 = arith.constant 0 : i32
    %dma_start3A_26 = tpu.memref_slice %arg2[%dma_start3A_24, %dma_start3A_25] : memref<640x128xf32, #tpu.memory_space<hbm>> -> memref<640x128xf32, #tpu.memory_space<hbm>>
    tpu.enqueue_indirect_dma source(%dma_start3A_26 : memref<640x128xf32, #tpu.memory_space<hbm>>) target(%dma_start3A_21 : memref<64x128xf32, #tpu.memory_space<vmem>>) offsets(%dma_start3A_23 : memref<64xi32, #tpu.memory_space<vmem>>) semaphore(%arg10 : memref<!tpu.dma_semaphore, #tpu.memory_space<semaphore_mem>>)
    %dma_wait3A_27 = arith.constant 64 : i32
    %dma_wait3A_28 = tpu.memref_slice %arg6[%dma_wait3A_27] : memref<128xi32, #tpu.memory_space<vmem>> -> memref<64xi32, #tpu.memory_space<vmem>>
    %dma_wait3A_29 = tpu.memref_slice %arg4[%mul3A_2] : memref<1024xi32, #tpu.memory_space<hbm>> -> memref<64xi32, #tpu.memory_space<hbm>>
    %dma_wait3A_30 = arith.constant 64 : i32
    %dma_wait3A_31 = tpu.memref_slice %arg6[%dma_wait3A_30] : memref<128xi32, #tpu.memory_space<vmem>> -> memref<64xi32, #tpu.memory_space<vmem>>
    %dma_wait3A_32 = tpu.memref_slice %arg4[%mul3A_2] : memref<1024xi32, #tpu.memory_space<hbm>> -> memref<64xi32, #tpu.memory_space<hbm>>
    tpu.wait_dma2 semaphore(%arg9 : memref<!tpu.dma_semaphore, #tpu.memory_space<semaphore_mem>>) src(%dma_wait3A_32 : memref<64xi32, #tpu.memory_space<hbm>>) dst(%dma_wait3A_31 : memref<64xi32, #tpu.memory_space<vmem>>)
    %dma_start3A_33 = arith.constant 64 : i32
    %dma_start3A_34 = arith.constant 0 : i32
    %dma_start3A_35 = tpu.memref_slice %arg7[%dma_start3A_33, %dma_start3A_34] : memref<128x128xf32, #tpu.memory_space<vmem>> -> memref<64x128xf32, #tpu.memory_space<vmem>>
    %dma_start3A_36 = arith.constant 64 : i32
    %dma_start3A_37 = tpu.memref_slice %arg6[%dma_start3A_36] : memref<128xi32, #tpu.memory_space<vmem>> -> memref<64xi32, #tpu.memory_space<vmem>>
    %dma_start3A_38 = arith.constant 0 : i32
    %dma_start3A_39 = arith.constant 0 : i32
    %dma_start3A_40 = tpu.memref_slice %arg2[%dma_start3A_38, %dma_start3A_39] : memref<640x128xf32, #tpu.memory_space<hbm>> -> memref<640x128xf32, #tpu.memory_space<hbm>>
    tpu.enqueue_indirect_dma source(%dma_start3A_40 : memref<640x128xf32, #tpu.memory_space<hbm>>) target(%dma_start3A_35 : memref<64x128xf32, #tpu.memory_space<vmem>>) offsets(%dma_start3A_37 : memref<64xi32, #tpu.memory_space<vmem>>) semaphore(%arg9 : memref<!tpu.dma_semaphore, #tpu.memory_space<semaphore_mem>>)
    %dma_wait3A_41 = arith.constant 0 : i32
    %dma_wait3A_42 = arith.constant 0 : i32
    %dma_wait3A_43 = tpu.memref_slice %arg7[%dma_wait3A_41, %dma_wait3A_42] : memref<128x128xf32, #tpu.memory_space<vmem>> -> memref<64x128xf32, #tpu.memory_space<vmem>>
    %dma_wait3A_44 = arith.constant 0 : i32
    %dma_wait3A_45 = tpu.memref_slice %arg6[%dma_wait3A_44] : memref<128xi32, #tpu.memory_space<vmem>> -> memref<64xi32, #tpu.memory_space<vmem>>
    %dma_wait3A_46 = arith.constant 0 : i32
    %dma_wait3A_47 = arith.constant 0 : i32
    %dma_wait3A_48 = tpu.memref_slice %arg2[%dma_wait3A_46, %dma_wait3A_47] : memref<640x128xf32, #tpu.memory_space<hbm>> -> memref<640x128xf32, #tpu.memory_space<hbm>>
    tpu.wait_indirect_dma semaphore(%arg10 : memref<!tpu.dma_semaphore, #tpu.memory_space<semaphore_mem>>) src(%dma_wait3A_48 : memref<640x128xf32, #tpu.memory_space<hbm>>) dst(%dma_wait3A_43 : memref<64x128xf32, #tpu.memory_space<vmem>>)
    %dma_start3A_49 = arith.constant 0 : i32
    %dma_start3A_50 = arith.constant 0 : i32
    %dma_start3A_51 = tpu.memref_slice %arg7[%dma_start3A_49, %dma_start3A_50] : memref<128x128xf32, #tpu.memory_space<vmem>> -> memref<64x128xf32, #tpu.memory_space<vmem>>
    %dma_start3A_52 = arith.constant 0 : i32
    %dma_start3A_53 = tpu.memref_slice %arg5[%mul3A_2, %dma_start3A_52] : memref<1024x256xf32, #tpu.memory_space<hbm>> -> memref<64x128xf32, #tpu.memory_space<hbm>>
    %dma_start3A_54 = arith.constant 0 : i32
    %dma_start3A_55 = tpu.memref_slice %arg5[%mul3A_2, %dma_start3A_54] : memref<1024x256xf32, #tpu.memory_space<hbm>> -> memref<64x128xf32, #tpu.memory_space<hbm>>
    %dma_start3A_56 = arith.constant 0 : i32
    %dma_start3A_57 = arith.constant 0 : i32
    %dma_start3A_58 = tpu.memref_slice %arg7[%dma_start3A_56, %dma_start3A_57] : memref<128x128xf32, #tpu.memory_space<vmem>> -> memref<64x128xf32, #tpu.memory_space<vmem>>
    tpu.enqueue_dma source(%dma_start3A_58 : memref<64x128xf32, #tpu.memory_space<vmem>>) target(%dma_start3A_55 : memref<64x128xf32, #tpu.memory_space<hbm>>) target_semaphore(%arg8 : memref<!tpu.dma_semaphore, #tpu.memory_space<semaphore_mem>>)
    %dma_wait3A_59 = arith.constant 64 : i32
    %dma_wait3A_60 = arith.constant 0 : i32
    %dma_wait3A_61 = tpu.memref_slice %arg7[%dma_wait3A_59, %dma_wait3A_60] : memref<128x128xf32, #tpu.memory_space<vmem>> -> memref<64x128xf32, #tpu.memory_space<vmem>>
    %dma_wait3A_62 = arith.constant 64 : i32
    %dma_wait3A_63 = tpu.memref_slice %arg6[%dma_wait3A_62] : memref<128xi32, #tpu.memory_space<vmem>> -> memref<64xi32, #tpu.memory_space<vmem>>
    %dma_wait3A_64 = arith.constant 0 : i32
    %dma_wait3A_65 = arith.constant 0 : i32
    %dma_wait3A_66 = tpu.memref_slice %arg2[%dma_wait3A_64, %dma_wait3A_65] : memref<640x128xf32, #tpu.memory_space<hbm>> -> memref<640x128xf32, #tpu.memory_space<hbm>>
    tpu.wait_indirect_dma semaphore(%arg9 : memref<!tpu.dma_semaphore, #tpu.memory_space<semaphore_mem>>) src(%dma_wait3A_66 : memref<640x128xf32, #tpu.memory_space<hbm>>) dst(%dma_wait3A_61 : memref<64x128xf32, #tpu.memory_space<vmem>>)
    %dma_start3A_67 = arith.constant 64 : i32
    %dma_start3A_68 = arith.constant 0 : i32
    %dma_start3A_69 = tpu.memref_slice %arg7[%dma_start3A_67, %dma_start3A_68] : memref<128x128xf32, #tpu.memory_space<vmem>> -> memref<64x128xf32, #tpu.memory_space<vmem>>
    %dma_start3A_70 = arith.constant 128 : i32
    %dma_start3A_71 = tpu.memref_slice %arg5[%mul3A_2, %dma_start3A_70] : memref<1024x256xf32, #tpu.memory_space<hbm>> -> memref<64x128xf32, #tpu.memory_space<hbm>>
    %dma_start3A_72 = arith.constant 128 : i32
    %dma_start3A_73 = tpu.memref_slice %arg5[%mul3A_2, %dma_start3A_72] : memref<1024x256xf32, #tpu.memory_space<hbm>> -> memref<64x128xf32, #tpu.memory_space<hbm>>
    %dma_start3A_74 = arith.constant 64 : i32
    %dma_start3A_75 = arith.constant 0 : i32
    %dma_start3A_76 = tpu.memref_slice %arg7[%dma_start3A_74, %dma_start3A_75] : memref<128x128xf32, #tpu.memory_space<vmem>> -> memref<64x128xf32, #tpu.memory_space<vmem>>
    tpu.enqueue_dma source(%dma_start3A_76 : memref<64x128xf32, #tpu.memory_space<vmem>>) target(%dma_start3A_73 : memref<64x128xf32, #tpu.memory_space<hbm>>) target_semaphore(%arg9 : memref<!tpu.dma_semaphore, #tpu.memory_space<semaphore_mem>>)
    %dma_wait3A_77 = arith.constant 0 : i32
    %dma_wait3A_78 = arith.constant 0 : i32
    %dma_wait3A_79 = tpu.memref_slice %arg7[%dma_wait3A_77, %dma_wait3A_78] : memref<128x128xf32, #tpu.memory_space<vmem>> -> memref<64x128xf32, #tpu.memory_space<vmem>>
    %dma_wait3A_80 = arith.constant 0 : i32
    %dma_wait3A_81 = tpu.memref_slice %arg5[%mul3A_2, %dma_wait3A_80] : memref<1024x256xf32, #tpu.memory_space<hbm>> -> memref<64x128xf32, #tpu.memory_space<hbm>>
    %dma_wait3A_82 = arith.constant 0 : i32
    %dma_wait3A_83 = tpu.memref_slice %arg5[%mul3A_2, %dma_wait3A_82] : memref<1024x256xf32, #tpu.memory_space<hbm>> -> memref<64x128xf32, #tpu.memory_space<hbm>>
    %dma_wait3A_84 = arith.constant 0 : i32
    %dma_wait3A_85 = arith.constant 0 : i32
    %dma_wait3A_86 = tpu.memref_slice %arg7[%dma_wait3A_84, %dma_wait3A_85] : memref<128x128xf32, #tpu.memory_space<vmem>> -> memref<64x128xf32, #tpu.memory_space<vmem>>
    tpu.wait_dma2 semaphore(%arg8 : memref<!tpu.dma_semaphore, #tpu.memory_space<semaphore_mem>>) src(%dma_wait3A_86 : memref<64x128xf32, #tpu.memory_space<vmem>>) dst(%dma_wait3A_83 : memref<64x128xf32, #tpu.memory_space<hbm>>)
    %dma_wait3A_87 = arith.constant 64 : i32
    %dma_wait3A_88 = arith.constant 0 : i32
    %dma_wait3A_89 = tpu.memref_slice %arg7[%dma_wait3A_87, %dma_wait3A_88] : memref<128x128xf32, #tpu.memory_space<vmem>> -> memref<64x128xf32, #tpu.memory_space<vmem>>
    %dma_wait3A_90 = arith.constant 128 : i32
    %dma_wait3A_91 = tpu.memref_slice %arg5[%mul3A_2, %dma_wait3A_90] : memref<1024x256xf32, #tpu.memory_space<hbm>> -> memref<64x128xf32, #tpu.memory_space<hbm>>
    %dma_wait3A_92 = arith.constant 128 : i32
    %dma_wait3A_93 = tpu.memref_slice %arg5[%mul3A_2, %dma_wait3A_92] : memref<1024x256xf32, #tpu.memory_space<hbm>> -> memref<64x128xf32, #tpu.memory_space<hbm>>
    %dma_wait3A_94 = arith.constant 64 : i32
    %dma_wait3A_95 = arith.constant 0 : i32
    %dma_wait3A_96 = tpu.memref_slice %arg7[%dma_wait3A_94, %dma_wait3A_95] : memref<128x128xf32, #tpu.memory_space<vmem>> -> memref<64x128xf32, #tpu.memory_space<vmem>>
    tpu.wait_dma2 semaphore(%arg9 : memref<!tpu.dma_semaphore, #tpu.memory_space<semaphore_mem>>) src(%dma_wait3A_96 : memref<64x128xf32, #tpu.memory_space<vmem>>) dst(%dma_wait3A_93 : memref<64x128xf32, #tpu.memory_space<hbm>>)
    return
  }
}

module attributes {stable_mosaic.version = 14 : i64} {
  func.func @_ppl_body(%arg0: memref<1024xi32, #tpu.memory_space<vmem>>, %arg1: memref<1024xi32, #tpu.memory_space<vmem>>, %arg2: memref<1x1xf32, #tpu.memory_space<vmem>>) attributes {dimension_semantics = [], scalar_prefetch = 0 : i64, scratch_operands = 0 : i64, tpu.core_type = #tpu.core_type<tc>} {
    %iota3A = tpu.iota {dimensions = array<i32: 1>} : vector<1024x320xi32>
    %get3A = arith.constant 0 : index
    %get3A_0 = vector.load %arg0[%get3A] : memref<1024xi32, #tpu.memory_space<vmem>>, vector<1024xi32>
    %sub3A = arith.constant 0 : i32
    %sub3A_1 = vector.broadcast %sub3A : i32 to vector<1024xi32>
    %sub3A_2 = arith.subi %get3A_0, %sub3A_1 : vector<1024xi32>
    %broadcast_in_dim3A = vector.shape_cast %sub3A_2 : vector<1024xi32> to vector<1024x1xi32>
    %eq3A = vector.broadcast %broadcast_in_dim3A : vector<1024x1xi32> to vector<1024x320xi32>
    %eq3A_3 = arith.cmpi eq, %iota3A, %eq3A : vector<1024x320xi32>
    %convert_element_type3A = arith.extui %eq3A_3 : vector<1024x320xi1> to vector<1024x320xi32>
    %convert_element_type3A_4 = arith.sitofp %convert_element_type3A : vector<1024x320xi32> to vector<1024x320xf32>
    %reduce_sum3A = arith.constant dense<0.000000e+00> : vector<320xf32>
    %reduce_sum3A_5 = vector.multi_reduction <add>, %convert_element_type3A_4, %reduce_sum3A [0] : vector<1024x320xf32> to vector<320xf32>
    %mul3A = arith.constant 9.765625E-4 : f32
    %mul3A_6 = vector.broadcast %mul3A : f32 to vector<320xf32>
    %mul3A_7 = arith.mulf %reduce_sum3A_5, %mul3A_6 : vector<320xf32>
    %add3A = arith.constant 1.000000e-07 : f32
    %add3A_8 = vector.broadcast %add3A : f32 to vector<320xf32>
    %add3A_9 = arith.addf %mul3A_7, %add3A_8 : vector<320xf32>
    %log3A = math.log %add3A_9 : vector<320xf32>
    %mul3A_10 = arith.mulf %mul3A_7, %log3A : vector<320xf32>
    %reduce_sum3A_11 = vector.shape_cast %mul3A_10 : vector<320xf32> to vector<1x320xf32>
    %reduce_sum3A_12 = arith.constant dense<0.000000e+00> : vector<1xf32>
    %reduce_sum3A_13 = vector.multi_reduction <add>, %reduce_sum3A_11, %reduce_sum3A_12 [1] : vector<1x320xf32> to vector<1xf32>
    %reduce_sum3A_14 = vector.shape_cast %reduce_sum3A_13 : vector<1xf32> to vector<1x1xf32>
    %reduce_sum3A_15 = vector.extract %reduce_sum3A_14[0, 0] : f32 from vector<1x1xf32>
    %neg3A = arith.constant 0.000000e+00 : f32
    %neg3A_16 = arith.subf %neg3A, %reduce_sum3A_15 : f32
    %exp3A = math.exp %neg3A_16 : f32
    %add3A_17 = arith.constant 0.000000e+00 : f32
    %add3A_18 = arith.addf %add3A_17, %exp3A : f32
    %get3A_19 = arith.constant 0 : index
    %get3A_20 = vector.load %arg1[%get3A_19] : memref<1024xi32, #tpu.memory_space<vmem>>, vector<1024xi32>
    %sub3A_21 = arith.constant 320 : i32
    %sub3A_22 = vector.broadcast %sub3A_21 : i32 to vector<1024xi32>
    %sub3A_23 = arith.subi %get3A_20, %sub3A_22 : vector<1024xi32>
    %broadcast_in_dim3A_24 = vector.shape_cast %sub3A_23 : vector<1024xi32> to vector<1024x1xi32>
    %eq3A_25 = vector.broadcast %broadcast_in_dim3A_24 : vector<1024x1xi32> to vector<1024x320xi32>
    %eq3A_26 = arith.cmpi eq, %iota3A, %eq3A_25 : vector<1024x320xi32>
    %convert_element_type3A_27 = arith.extui %eq3A_26 : vector<1024x320xi1> to vector<1024x320xi32>
    %convert_element_type3A_28 = arith.sitofp %convert_element_type3A_27 : vector<1024x320xi32> to vector<1024x320xf32>
    %reduce_sum3A_29 = arith.constant dense<0.000000e+00> : vector<320xf32>
    %reduce_sum3A_30 = vector.multi_reduction <add>, %convert_element_type3A_28, %reduce_sum3A_29 [0] : vector<1024x320xf32> to vector<320xf32>
    %mul3A_31 = arith.constant 9.765625E-4 : f32
    %mul3A_32 = vector.broadcast %mul3A_31 : f32 to vector<320xf32>
    %mul3A_33 = arith.mulf %reduce_sum3A_30, %mul3A_32 : vector<320xf32>
    %add3A_34 = arith.constant 1.000000e-07 : f32
    %add3A_35 = vector.broadcast %add3A_34 : f32 to vector<320xf32>
    %add3A_36 = arith.addf %mul3A_33, %add3A_35 : vector<320xf32>
    %log3A_37 = math.log %add3A_36 : vector<320xf32>
    %mul3A_38 = arith.mulf %mul3A_33, %log3A_37 : vector<320xf32>
    %reduce_sum3A_39 = vector.shape_cast %mul3A_38 : vector<320xf32> to vector<1x320xf32>
    %reduce_sum3A_40 = arith.constant dense<0.000000e+00> : vector<1xf32>
    %reduce_sum3A_41 = vector.multi_reduction <add>, %reduce_sum3A_39, %reduce_sum3A_40 [1] : vector<1x320xf32> to vector<1xf32>
    %reduce_sum3A_42 = vector.shape_cast %reduce_sum3A_41 : vector<1xf32> to vector<1x1xf32>
    %reduce_sum3A_43 = vector.extract %reduce_sum3A_42[0, 0] : f32 from vector<1x1xf32>
    %neg3A_44 = arith.constant 0.000000e+00 : f32
    %neg3A_45 = arith.subf %neg3A_44, %reduce_sum3A_43 : f32
    %exp3A_46 = math.exp %neg3A_45 : f32
    %add3A_47 = arith.addf %add3A_18, %exp3A_46 : f32
    %broadcast_in_dim3A_48 = vector.broadcast %add3A_47 : f32 to vector<1x1xf32>
    %swap3A = arith.constant 0 : index
    %swap3A_49 = arith.constant 0 : index
    %swap3A_50 = vector.load %arg2[%swap3A, %swap3A_49] : memref<1x1xf32, #tpu.memory_space<vmem>>, vector<1x1xf32>
    tpu.vector_store %arg2[%swap3A, %swap3A_49], %broadcast_in_dim3A_48 {strides = array<i32>} : memref<1x1xf32, #tpu.memory_space<vmem>>, vector<1x1xf32>,
    return
  }
}

module attributes {stable_mosaic.version = 14 : i64} {
  func.func @_proj_argmax_body(%arg0: i32, %arg1: memref<2x256x512xf32, #tpu.memory_space<vmem>>, %arg2: memref<512x640xf32, #tpu.memory_space<vmem>>, %arg3: memref<640xf32, #tpu.memory_space<vmem>>, %arg4: memref<1024xi32, #tpu.memory_space<vmem>>, %arg5: memref<1024xi32, #tpu.memory_space<vmem>>) attributes {dimension_semantics = [#tpu.dimension_semantics<arbitrary>], iteration_bounds = array<i64: 2>, scalar_prefetch = 0 : i64, scratch_operands = 0 : i64, tpu.core_type = #tpu.core_type<tc>, window_params = [{transform_indices = @transform_0, window_bounds = array<i64: 2, 256, 512>}, {pipeline_mode = #tpu.pipeline_mode<synchronous>, transform_indices = @transform_1, window_bounds = array<i64: 512, 640>}, {pipeline_mode = #tpu.pipeline_mode<synchronous>, transform_indices = @transform_2, window_bounds = array<i64: 640>}, {pipeline_mode = #tpu.pipeline_mode<synchronous>, transform_indices = @transform_3, window_bounds = array<i64: 1024>}, {pipeline_mode = #tpu.pipeline_mode<synchronous>, transform_indices = @transform_4, window_bounds = array<i64: 1024>}]} {
    %get3A = arith.constant 0 : index
    %get3A_0 = arith.constant 0 : index
    %get3A_1 = arith.constant 0 : index
    %get3A_2 = vector.load %arg1[%get3A, %get3A_0, %get3A_1] : memref<2x256x512xf32, #tpu.memory_space<vmem>>, vector<2x256x512xf32>
    %reshape3A = vector.shape_cast %get3A_2 : vector<2x256x512xf32> to vector<512x512xf32>
    %get3A_3 = arith.constant 0 : index
    %get3A_4 = arith.constant 0 : index
    %get3A_5 = vector.load %arg2[%get3A_3, %get3A_4] : memref<512x640xf32, #tpu.memory_space<vmem>>, vector<512x640xf32>
    %dot_general3A = arith.constant dense<0.000000e+00> : vector<512x640xf32>
    %dot_general3A_6 = tpu.matmul %reshape3A, %get3A_5, %dot_general3A {dimension_numbers = #tpu.dot_dimension_numbers<[1], [0], [0], [1], [0, 0, 1, 1], [], []>, transpose_lhs_hint = false} : vector<512x512xf32>, vector<512x640xf32>, vector<512x640xf32> -> vector<512x640xf32>
    %get3A_7 = arith.constant 0 : index
    %get3A_8 = vector.load %arg3[%get3A_7] : memref<640xf32, #tpu.memory_space<vmem>>, vector<640xf32>
    %broadcast_in_dim3A = vector.shape_cast %get3A_8 : vector<640xf32> to vector<1x640xf32>
    %add3A = vector.broadcast %broadcast_in_dim3A : vector<1x640xf32> to vector<512x640xf32>
    %add3A_9 = arith.addf %dot_general3A_6, %add3A : vector<512x640xf32>
    %iota3A = tpu.iota {dimensions = array<i32: 1>} : vector<512x320xi32>
    %slice3A = vector.extract_strided_slice %add3A_9 {offsets = [0, 0], sizes = [512, 320], strides = [1, 1]} : vector<512x640xf32> to vector<512x320xf32>
    %reduce_max3A = arith.constant dense<0xFF800000> : vector<512xf32>
    %reduce_max3A_10 = vector.multi_reduction <maximumf>, %slice3A, %reduce_max3A [1] : vector<512x320xf32> to vector<512xf32>
    %broadcast_in_dim3A_11 = vector.shape_cast %reduce_max3A_10 : vector<512xf32> to vector<512x1xf32>
    %eq3A = vector.broadcast %broadcast_in_dim3A_11 : vector<512x1xf32> to vector<512x320xf32>
    %eq3A_12 = arith.cmpf oeq, %slice3A, %eq3A : vector<512x320xf32>
    %jit3A = arith.constant 320 : i32
    %broadcast_in_dim3A_13 = vector.broadcast %jit3A : i32 to vector<512x320xi32>
    %select_n3A = arith.select %eq3A_12, %iota3A, %broadcast_in_dim3A_13 : vector<512x320xi1>, vector<512x320xi32>
    %reduce_min3A = arith.constant dense<2147483647> : vector<512xi32>
    %reduce_min3A_14 = vector.multi_reduction <minsi>, %select_n3A, %reduce_min3A [1] : vector<512x320xi32> to vector<512xi32>
    %add3A_15 = arith.constant 0 : i32
    %add3A_16 = vector.broadcast %add3A_15 : i32 to vector<512xi32>
    %add3A_17 = arith.addi %reduce_min3A_14, %add3A_16 : vector<512xi32>
    %mul3A = arith.constant 512 : i32
    %mul3A_18 = arith.muli %arg0, %mul3A : i32
    %swap3A = arith.index_cast %mul3A_18 : i32 to index
    %swap3A_19 = vector.load %arg4[%swap3A] : memref<1024xi32, #tpu.memory_space<vmem>>, vector<512xi32>
    tpu.vector_store %arg4[%swap3A], %add3A_17 {strides = array<i32>} : memref<1024xi32, #tpu.memory_space<vmem>>, vector<512xi32>,
    %slice3A_20 = vector.extract_strided_slice %add3A_9 {offsets = [0, 320], sizes = [512, 320], strides = [1, 1]} : vector<512x640xf32> to vector<512x320xf32>
    %reduce_max3A_21 = arith.constant dense<0xFF800000> : vector<512xf32>
    %reduce_max3A_22 = vector.multi_reduction <maximumf>, %slice3A_20, %reduce_max3A_21 [1] : vector<512x320xf32> to vector<512xf32>
    %broadcast_in_dim3A_23 = vector.shape_cast %reduce_max3A_22 : vector<512xf32> to vector<512x1xf32>
    %eq3A_24 = vector.broadcast %broadcast_in_dim3A_23 : vector<512x1xf32> to vector<512x320xf32>
    %eq3A_25 = arith.cmpf oeq, %slice3A_20, %eq3A_24 : vector<512x320xf32>
    %jit3A_26 = arith.constant 320 : i32
    %broadcast_in_dim3A_27 = vector.broadcast %jit3A_26 : i32 to vector<512x320xi32>
    %select_n3A_28 = arith.select %eq3A_25, %iota3A, %broadcast_in_dim3A_27 : vector<512x320xi1>, vector<512x320xi32>
    %reduce_min3A_29 = arith.constant dense<2147483647> : vector<512xi32>
    %reduce_min3A_30 = vector.multi_reduction <minsi>, %select_n3A_28, %reduce_min3A_29 [1] : vector<512x320xi32> to vector<512xi32>
    %add3A_31 = arith.constant 320 : i32
    %add3A_32 = vector.broadcast %add3A_31 : i32 to vector<512xi32>
    %add3A_33 = arith.addi %reduce_min3A_30, %add3A_32 : vector<512xi32>
    %mul3A_34 = arith.constant 512 : i32
    %mul3A_35 = arith.muli %arg0, %mul3A_34 : i32
    %swap3A_36 = arith.index_cast %mul3A_35 : i32 to index
    %swap3A_37 = vector.load %arg5[%swap3A_36] : memref<1024xi32, #tpu.memory_space<vmem>>, vector<512xi32>
    tpu.vector_store %arg5[%swap3A_36], %add3A_33 {strides = array<i32>} : memref<1024xi32, #tpu.memory_space<vmem>>, vector<512xi32>,
    return
  }
  func.func @transform_0(%arg0: i32) -> (i32, i32, i32) {
    %c0_i32 = arith.constant 0 : i32
    %c0_i32_0 = arith.constant 0 : i32
    %c0_i32_1 = arith.constant 0 : i32
    return %arg0, %c0_i32, %c0_i32_0 : i32, i32, i32
  }
  func.func @transform_1(%arg0: i32) -> (i32, i32) {
    %c0_i32 = arith.constant 0 : i32
    %c0_i32_0 = arith.constant 0 : i32
    %c0_i32_1 = arith.constant 0 : i32
    return %c0_i32, %c0_i32_0 : i32, i32
  }
  func.func @transform_2(%arg0: i32) -> i32 {
    %c0_i32 = arith.constant 0 : i32
    %c0_i32_0 = arith.constant 0 : i32
    return %c0_i32 : i32
  }
  func.func @transform_3(%arg0: i32) -> i32 {
    %c0_i32 = arith.constant 0 : i32
    %c0_i32_0 = arith.constant 0 : i32
    return %c0_i32 : i32
  }
  func.func @transform_4(%arg0: i32) -> i32 {
    %c0_i32 = arith.constant 0 : i32
    %c0_i32_0 = arith.constant 0 : i32
    return %c0_i32 : i32
  }
}

</mosaic_0001>

<sc_bundles>
// kernel: kernel.5.cloned.1.call-start
scs
__scs_entry_jumppad:
0x0: {  	(pc) =	sbr.rel $0x88, $3  }
0x1: {  	(tag) =	ssettag $0x0;
	lr =	simm.s32 $0x1  }
0x2: {  	[smem:$0x3F9D] =	sst lr;
	_ =	strace $0xD0000000  }
0x3: {  	_ = 	snop  }
0x4: {  	_ = 	snop  }
0x5: {  	_ = 	snop  }
0x6: {  	_ = 	snop  }
0x7: {  	_ = 	snop  }
__scs_overlays_trampoline_lowered:
0x8: {  	[smem:$0x3FAC] =	sst s0  }
0x9: {  	[smem:$0x3FAD] =	sst s1  }
0xa: {  	[smem:$0x3FAE] =	sst s2  }
0xb: {  	[smem:$0x3FAF] =	sst s3  }
0xc: {  	[smem:$0x3FB0] =	sst s4  }
0xd: {  	[smem:$0x3FB1] =	sst s5  }
0xe: {  	[smem:$0x3FB2] =	sst s6  }
0xf: {  	[smem:$0x3FB3] =	sst s7  }
0x10: {  	[smem:$0x3FB4] =	sst s8  }
0x11: {  	[smem:$0x3FB5] =	sst s9;
	s0 =	simm.s32 @!p0 $0x0  }
0x12: {  	s1 =	sld [smem:$0x3F9B];
	s0 =	simm.s32 @p0 $0x1  }
0x13: {  	[smem:$0x3FB6] =	sst s0;
	s0 =	simm.s32 @!p1 $0x0  }
0x14: {  	s2 =	sld [smem:$0x3F9A];
	s0 =	simm.s32 @p1 $0x1  }
0x15: {  	[smem:$0x3FB7] =	sst s0;
	s0 =	simm.s32 @!p2 $0x0  }
0x16: {  	s3 =	sld [smem:$0x3FDB];
	s0 =	simm.s32 @p2 $0x1  }
0x17: {  	s4 =	simm.s32 $0x1BF5;
	[smem:$0x3FB9] =	sst s0  }
0x18: {  	s0 =	sld [smem:$0x3F9C];
	_ =	swait.ge [sflag:s4], $0x0  }
0x19: {  	s7 =	sld [smem:$0x3F9D]  }
0x1a: {  	s8 =	sadd.s32 $0xFFFFE003, lr  }
0x1b: {  	s9 =	sadd.s32 $0xFFFFFEF7, lr;
	s5 =	simm.s32 $0xFFFFFFFF;
	p2 =	slt.u32 s8, $0xFFFFF086  }
0x1c: {  	p1 =	slt.u32 s9, $0xF7A;
	s5 =	simm.s32 @!p2 $0x0  }
0x1d: {  	s5 =	simm.s32 @p1 $0x1;
	p0 =	seq.s32 s7, s2  }
0x1e: {  	s7 =	smul.u32 @!p0 $0xF7A, s2;
	p2 =	seq.s32 @!p0 s5, $0x0  }
0x1f: {  	s9 =	smul.u32 $0xF7A, s1;
	s8 =	simm.s32 @!p0 $0x1BF5;
	p2 =	por !p2, p0  }
0x20: {  	[sflag:s8] =	ssyncset.s32 @!p0 $0xFFFFF086;
	s6 =	sadd.s32 @!p0 s3, s7;
	s7 =	simm.s32 @!p0 $0x108  }
0x21: {  	s3 =	sadd.s32 s3, s9;
	s6 =	sadd.s32 @!p0 $0x88, s6;
	s7 =	simm.s32 @p2 $0x1082  }
0x22: {  	[simem:s7], [sflag:s8] =	dma.local @!p0 [hbm:s6], $0xF7A  }
0x23: {  	s9 =	sor.u32 $0xD0000000, s2;
	s6 =	simm.s32 $0x108;
	_ =	swait.ge @!p0 [sflag:s8], $0x0  }
0x24: {  	s3 =	sadd.s32 $0x88, s3;
	s6 =	simm.s32 @!p1 $0x1082;
	[sflag:s4] =	ssyncset.s32 $0xFFFFF086  }
0x25: {  	[simem:s6], [sflag:s4] =	dma.local [hbm:s3], $0xF7A  }
0x26: {  	[smem:$0x3F9D] =	sst s1;
	(tag) =	ssettag s2;
	_ =	strace s9  }
0x27: {  	s1 =	sld [smem:$0x3FAD]  }
0x28: {  	s2 =	sld [smem:$0x3FAE]  }
0x29: {  	s4 =	sld [smem:$0x3FB0]  }
0x2a: {  	p0 =	seq.s32 s5, $0x0;
	s5 =	sld [smem:$0x3FB1]  }
0x2b: {  	s6 =	sld [smem:$0x3FB2]  }
0x2c: {  	s7 =	sld [smem:$0x3FB3]  }
0x2d: {  	s3 =	simm.s32 $0x108;
	s8 =	sld [smem:$0x3FB4]  }
0x2e: {  	s3 =	simm.s32 @!p0 $0x1082;
	s9 =	sld [smem:$0x3FB5]  }
0x2f: {  	lr =	sadd.s32 s0, s3;
	s0 =	sld [smem:$0x3FAC]  }
0x30: {  	s3 =	sld [smem:$0x3FAF]  }
0x31: {  	[smem:$0x3FB8] =	sst s10  }
0x32: {  	s10 =	sld [smem:$0x3FB6];
	_ =	sdelay $0x3  }
0x33: {  	p0 =	seq.s32 s10, $0x1;
	s10 =	sld [smem:$0x3FB8];
	_ =	sdelay $0x3  }
0x34: {  	[smem:$0x3FB8] =	sst s10  }
0x35: {  	s10 =	sld [smem:$0x3FB7];
	_ =	sdelay $0x3  }
0x36: {  	p1 =	seq.s32 s10, $0x1;
	s10 =	sld [smem:$0x3FB8];
	_ =	sdelay $0x3  }
0x37: {  	[smem:$0x3FB8] =	sst s10  }
0x38: {  	s10 =	sld [smem:$0x3FB9]  }
0x39: {  	_ = 	snop;
	(pc) =	sbr.ind lr, $3  }
0x3a: {  	_ = 	snop  }
0x3b: {  	_ = 	snop  }
0x3c: {  	p2 =	seq.s32 s10, $0x1;
	s10 =	sld [smem:$0x3FB8]  }
0x3d: {  	_ =	shalt  }
0x3e: {  	_ =	shalt  }
0x3f: {  	_ =	shalt  }
0x40: {  	_ =	shalt  }
0x41: {  	_ =	shalt  }
0x42: {  	_ =	shalt  }
0x43: {  	_ =	shalt  }
0x44: {  	_ =	shalt  }
0x45: {  	_ =	shalt  }
0x46: {  	_ =	shalt  }
0x47: {  	_ =	shalt  }
0x48: {  	_ =	shalt  }
0x49: {  	_ =	shalt  }
0x4a: {  	_ =	shalt  }
0x4b: {  	_ =	shalt  }
0x4c: {  	_ =	shalt  }
0x4d: {  	_ =	shalt  }
0x4e: {  	_ =	shalt  }
0x4f: {  	_ =	shalt  }
0x50: {  	_ =	shalt  }
0x51: {  	_ =	shalt  }
0x52: {  	_ =	shalt  }
0x53: {  	_ =	shalt  }
0x54: {  	_ =	shalt  }
0x55: {  	_ =	shalt  }
0x56: {  	_ =	shalt  }
0x57: {  	_ =	shalt  }
0x58: {  	_ =	shalt  }
0x59: {  	_ =	shalt  }
0x5a: {  	_ =	shalt  }
0x5b: {  	_ =	shalt  }
0x5c: {  	_ =	shalt  }
0x5d: {  	_ =	shalt  }
0x5e: {  	_ =	shalt  }
0x5f: {  	_ =	shalt  }
0x60: {  	_ =	shalt  }
0x61: {  	_ =	shalt  }
0x62: {  	_ =	shalt  }
0x63: {  	_ =	shalt  }
0x64: {  	_ =	shalt  }
0x65: {  	_ =	shalt  }
0x66: {  	_ =	shalt  }
0x67: {  	_ =	shalt  }
0x68: {  	_ =	shalt  }
0x69: {  	_ =	shalt  }
0x6a: {  	_ =	shalt  }
0x6b: {  	_ =	shalt  }
0x6c: {  	_ =	shalt  }
0x6d: {  	_ =	shalt  }
0x6e: {  	_ =	shalt  }
0x6f: {  	_ =	shalt  }
0x70: {  	_ =	shalt  }
0x71: {  	_ =	shalt  }
0x72: {  	_ =	shalt  }
0x73: {  	_ =	shalt  }
0x74: {  	_ =	shalt  }
0x75: {  	_ =	shalt  }
0x76: {  	_ =	shalt  }
0x77: {  	_ =	shalt  }
0x78: {  	_ =	shalt  }
0x79: {  	_ =	shalt  }
0x7a: {  	_ =	shalt  }
0x7b: {  	_ =	shalt  }
0x7c: {  	_ =	shalt  }
0x7d: {  	_ =	shalt  }
0x7e: {  	_ =	shalt  }
0x7f: {  	_ =	shalt  }
0x80: {  	_ =	shalt  }
0x81: {  	_ =	shalt  }
0x82: {  	_ =	shalt  }
0x83: {  	_ =	shalt  }
0x84: {  	_ =	shalt  }
0x85: {  	_ =	shalt  }
0x86: {  	_ =	shalt  }
0x87: {  	_ =	shalt  }
.Lfunc_end0:
.L_simem_size_0:
called_computation_lowered:
.L_overlay_start_0:
0x88: {  	s0 =	sld [smem:$0x3FD9]  }
0x89: {  	s1 =	sld [smem:$0x3FFE];
	_ =	sdelay $0x3  }
0x8a: {  	s0 =	sadd.s32 s1, s0  }
0x8b: {  	[smem:$0x3FC4] =	sst s0  }
0x8c: {  	_ = 	snop  }
0x8d: {  	s0 =	sld [smem:$0x3FD0];
	_ =	sdelay $0x2  }
0x8e: {  	s2 =	simm.s32 $0xA;
	s3 =	simm.s32 $0x10;
	s13 =	sld [smem:$0x3FC8]  }
0x8f: {  	[smem:s3], [sflag:s2] =	dma.local [hbm:s0], $0x1  }
0x90: {  	_ =	swait.eq [sflag:s2], $0x1  }
0x91: {  	[sflag:s2] =	ssyncset.done $0x0  }
0x92: {  	[sflag:s2] =	ssyncadd.s32 $0xFFFFFFFF  }
0x93: {  	s14 =	sld [smem:$0x10];
	(tm) =	ssettm $0x1  }
0x94: {  	s15 =	sld [smem:$0x3FFB];
	_ =	sdelay $0x3  }
0x95: {  	_ =	strace s15  }
0x96: {  	s2 =	sld [smem:$0x3FFC];
	_ =	sdelay $0x3  }
0x97: {  	_ =	strace s2  }
0x98: {  	s2 =	sld [smem:$0x3FFD];
	_ =	sdelay $0x3  }
0x99: {  	_ =	strace s2  }
0x9a: {  	_ =	strace $0x8FFFFFFF  }
0x9b: {  	s16 =	sld [smem:$0x3FDB];
	_ =	sdelay $0x1  }
0x9c: {  	s17 =	simm.s32 $_scs_section_size  }
0x9d: {  	s4 =	simm.s32 $_size__tile_overlayer_lowered;
	s5 =	simm.s32 $_tile_overlayer_lowered  }
0x9e: {  	s20 =	simm.s32 $0x1BFF;
	s19 =	sshll.u32 s5, $0x1;
	s2 =	sadd.s32 s17, s16  }
0x9f: {  	s6 =	simm.s32 $0x0;
	s18 =	sshll.u32 s4, $0x1;
	s4 =	sadd.s32 s19, s2  }
0xa0: {  	[timem:s6], [sflag:s20] =	dma.local [hbm:s4], s18  }
0xa1: {  	_ =	swait.ge [sflag:s20], s18  }
0xa2: {  	s3 =	ssub.s32 $0x0, s18;
	[sflag:s20] =	ssyncset.done $0x0  }
0xa3: {  	[sflag:s20] =	ssyncadd.s32 s3;
	_ =	sdelay $0x1  }
0xa4: {  	s21 =	simm.s32 $0x1B8B  }
0xa5: {  	_ =	swait.ge [sflag:s21], $0x1  }
0xa6: {  	[sflag:s21] =	ssyncset.done $0x0  }
0xa7: {  	s23 =	simm.s32 $0x1B8E;
	s22 =	sld [smem:$0x3FFE];
	[sflag:s21] =	ssyncadd.s32 $0xFFFFFFFF  }
0xa8: {  	s24 =	simm.s32 $execute0_lowered;
	[smem:$0x3FD2] =	sst s23  }
0xa9: {  	s4 =	sshll.u32 s24, $0x1;
	_ =	strace $0x80000046;
	[dreg:$0x1] =	wrdreg $0xFFFFFFFF  }
0xaa: {  	s25 =	simm.s32 $_size_execute0_lowered;
	s2 =	sadd.s32 s2, s4;
	[dreg:$0x0] =	wrdreg $0x0  }
0xab: {  	s4 =	sshll.u32 s25, $0x1;
	[dreg:$0x2] =	wrdreg s2  }
0xac: {  	[dreg:$0x3] =	wrdreg s4  }
0xad: {  	[dreg:$0x4] =	wrdreg $0xC0  }
0xae: {  	_ =	task [dreg:s6], $0x5FFFF  }
0xaf: {  	[dreg:$0x1] =	wrdreg $0xFFFFFFFF  }
0xb0: {  	[dreg:$0x0] =	wrdreg $0x60  }
0xb1: {  	[dreg:$0x2] =	wrdreg s13  }
0xb2: {  	[dreg:$0x3] =	wrdreg s22  }
0xb3: {  	[dreg:$0x4] =	wrdreg s14  }
0xb4: {  	[dreg:$0x5] =	wrdreg $0x9  }
0xb5: {  	_ =	task.clear_ibuf [dreg:s6], $0x6FFFF;
	_ =	strace $0x90000046  }
0xb6: {  	s26 =	simm.s32 $0x9;
	_ =	strace $0x80000048  }
0xb7: {  	_ =	swait.ge [sflag:s26], $0x1  }
0xb8: {  	[sflag:s26] =	ssyncadd.s32 $0xFFFFFFFF  }
0xb9: {  	_ =	strace $0x90000048  }
0xba: {  	_ =	sfence  }
0xbb: {  	s28 =	sld [smem:$0x0];
	_ =	sdelay $0x1  }
0xbc: {  	s29 =	srdreg.scid  }
0xbd: {  	s30 =	sshll.u32 s29, $0xD;
	s31 =	sshrl.u32 s29, $0x2  }
0xbe: {  	s1 =	sand.u32 $0x1, s29;
	s2 =	sand.u32 $0x4000, s30;
	s0 =	sadd.s32 s31, s28  }
0xbf: {  	s1 =	sor.u32 s2, s1;
	s0 =	sshll.u32 s0, $0x11  }
0xc0: {  	s0 =	sor.u32 s0, s1  }
0xc1: {  	s0 =	sadd.s32 $0x8F2B, s0  }
0xc2: {  	[sflag:s0] =	ssyncadd.remote.s32 $0x1  }
0xc3: {  	_ =	sfence.sel $0xFFFF  }
0xc4: {  	[dreg:$0x0] =	wrdreg $0xFFFFFFFF;
	(pc) =	sbr.abs _section_cstart, $3  }
0xc5: {  	[dreg:$0x1] =	wrdreg $0xFFFFFFFF  }
0xc6: {  	_ =	task.clear_ibuf [dreg:s6], $0x2FFFF;
	_ =	strace $0x9FFFFFFF  }
0xc7: {  	(tm) =	ssettm $0x7FFFFFFF  }
tec
execute0_lowered:
.L_overlay_start_1:
0x0: {  	(tag) =	ssettag $0x1  }
0x1: {  	s0 =	rddreg [dreg:$0x0]  }
0x2: {  	s1 =	rddreg [dreg:$0x1];
	s3 =	stileid.u32  }
0x3: {  	s2 =	rddreg [dreg:$0x2];
	s5 =	simm.s32 $0x0;
	s6 =	sshll.u32 s3, $0x3  }
0x4: {  	[smem:$0x7FF] =	sst s5;
	s1 =	sadd.s32 s6, s1  }
0x5: {  	s4 =	rddreg [dreg:$0x3];
	_ =	strace $0x80000047;
	s6 =	sadd.s32 $0x1600, s1  }
0x6: {  	[tilespmem:s5], [sflag:$0x1] =	stream.linear.gather [hbm4b:s6+s5], $0x40, $0x38;
	[tilespmem:$0x4080] =	vst v63  }
0x7: {  	s24 =	simm.s32 $0x40;
	s25 =	simm.s32 $0x1;
	s1 =	sadd.s32 $0x1400, s1  }
0x8: {  	[tilespmem:s24], [sflag:$0x2] =	stream.linear.gather [hbm4b:s1+s5], $0x40, $0x38;
	[tilespmem:$0x4080] =	vst v63  }
0x9: {  	_ =	swait.ge [sflag:s25], $0x40  }
0xa: {  	[sflag:s25] =	ssyncset.done $0x0  }
0xb: {  	s7 =	simm.s32 $0x80;
	s26 =	simm.s32 $0x2;
	[sflag:s25] =	ssyncadd.s32 $0xFFFFFFC0  }
0xc: {  	[tilespmem:s7], [sflag:$0x3] =	stream.indirect.gather [hbm4b:s0+s24], $0x80, s5, s24, $0xb8;
	[tilespmem:$0x4080] =	vst v63  }
0xd: {  	_ =	swait.ge [sflag:s26], $0x40  }
0xe: {  	[sflag:s26] =	ssyncset.done $0x0  }
0xf: {  	s8 =	simm.s32 $0x2080;
	s28 =	simm.s32 $0x3;
	[sflag:s26] =	ssyncadd.s32 $0xFFFFFFC0  }
0x10: {  	[tilespmem:s8], [sflag:$0x2] =	stream.indirect.gather [hbm4b:s0+s24], $0x80, s24, s24, $0xb8;
	[tilespmem:$0x4080] =	vst v63  }
0x11: {  	_ =	swait.ge [sflag:s28], $0x2000  }
0x12: {  	s30 =	simm.s32 $0x400;
	s29 =	sshll.u32 s3, $0xB;
	[sflag:s28] =	ssyncset.done $0x0  }
0x13: {  	s31 =	simm.s32 $0x800;
	s2 =	sadd.s32 s2, s29;
	[sflag:s28] =	ssyncadd.s32 $0xFFFFE000  }
0x14: {  	[hbm4b:s2+s30] =	stream.strided.scatter [tilespmem:s7], [sflag:$0x1], $0x2000, s31, s30, $0x38;
	[tilespmem:$0x4080] =	vst v63  }
0x15: {  	_ =	swait.ge [sflag:s26], $0x2000  }
0x16: {  	[sflag:s26] =	ssyncset.done $0x0  }
0x17: {  	s2 =	sadd.s32 $0x80, s2;
	[sflag:s26] =	ssyncadd.s32 $0xFFFFE000  }
0x18: {  	[hbm4b:s2+s30] =	stream.strided.scatter [tilespmem:s8], [sflag:$0x2], $0x2000, s31, s30, $0x38;
	[tilespmem:$0x4080] =	vst v63  }
0x19: {  	_ =	swait.ge [sflag:s25], $0x2000  }
0x1a: {  	[sflag:s25] =	ssyncset.done $0x0  }
0x1b: {  	[sflag:s25] =	ssyncadd.s32 $0xFFFFE000  }
0x1c: {  	_ =	swait.ge [sflag:s26], $0x2000  }
0x1d: {  	[sflag:s26] =	ssyncset.done $0x0  }
0x1e: {  	[sflag:s26] =	ssyncadd.s32 $0xFFFFE000  }
0x1f: {  	_ =	sfence.sel $0x180000  }
0x20: {  	[bflag:$0x0] =	sbarrier.arrive $0xFFFF  }
0x21: {  	p0 =	sne.s32 s3, $0x0;
	_ =	strace $0x90000047  }
0x22: {  	s0 =	sadd.s32 @!p0 $0x100000, s4;
	[bflag:$0x2] =	sbarrier.arrive $0xFFFF  }
0x23: {  	[sflag:s0] =	ssyncadd.tile.s32 @!p0 $0x1;
	_ =	shalt  }
.Lfunc_end2:
_tile_overlayer_lowered:
.L_overlay_start_2:
0x24: {  	(tag) =	ssettag $0x2  }
0x25: {  	s0 =	rddreg [dreg:$0x0];
	s2 =	stileid.u32  }
0x26: {  	s1 =	rddreg [dreg:$0x1];
	p0 =	sne.s32 s2, $0x0  }
0x27: {  	s3 =	rddreg [dreg:$0x2];
	[bflag:$0x3] =	sbarrier.arrive $0xFFFF;
	s2 =	simm.s32 @!p0 $0x1C04  }
0x28: {  	[timem:s3], [sflag:s2] =	dma.local @!p0 [hbm:s0], s1  }
0x29: {  	s0 =	simm.s32 @!p0 $0x4  }
0x2a: {  	_ =	swait.ge @!p0 [sflag:s0], s1  }
0x2b: {  	s1 =	ssub.s32 @!p0 $0x0, s1;
	[sflag:s0] =	ssyncset.done @!p0 $0x0  }
0x2c: {  	[sflag:s0] =	ssyncadd.s32 @!p0 s1  }
0x2d: {  	[bflag:$0x3] =	sbarrier.arrive $0xFFFF  }
0x2e: {  	_ =	shalt  }

</sc_bundles>
